<compile_context>
chip_gen: v7x
topology: tpu7x:2x2x1
jax: 0.10.2.dev20260603
libtpu: 0.0.44.dev20260713+nightly
codegen_flags: <defaults>
</compile_context>

<pallas_src>
import jax
import jax.numpy as jnp
from jax import lax
from jax.experimental import pallas as pl
from jax.experimental.pallas import tpu as pltpu
from jax.experimental.pallas import tpu_sc as plsc

N_NODES = 10000
FEATS = 128
E_PER_REL = 160000

NCORE = 2
NTILE = 16
CHUNK = 128
GRP = 8
NGRP = 10
NR = 2
NCH = 79
EDGES_PER_TILE = NCH * CHUNK
E_PAD = NTILE * EDGES_PER_TILE
ROWS_PER_TILE = 640
N_PAD = NTILE * ROWS_PER_TILE


def _sc_body(x_h, s0_h, d0_h, s1_h, d1_h, zrow_h, zdeg_h,
             agg_o, deg_o,
             src_b, dst_b, rows_v, deg_v, agg_sh, gsem):
    cid = lax.axis_index("c")
    sid = lax.axis_index("s")
    base = sid * ROWS_PER_TILE

    pltpu.sync_copy(zrow_h, agg_sh.at[pl.ds(base, ROWS_PER_TILE)])
    pltpu.sync_copy(zdeg_h, deg_v)
    plsc.subcore_barrier()

    ones16 = jnp.ones((16,), jnp.float32)

    def run(rel, s_h, d_h):
        pltpu.sync_copy(s_h.at[sid], src_b)
        pltpu.sync_copy(d_h.at[sid], dst_b)

        def chunk(j, carry):
            d = pltpu.async_copy(x_h.at[src_b.at[j]], rows_v, gsem)
            for k in range(CHUNK // 16):
                idx = dst_b[j, pl.ds(k * 16, 16)]
                plsc.addupdate_scatter(deg_v, [idx], ones16)
            d.wait()
            pltpu.sync_copy(rows_v, agg_sh.at[dst_b.at[j]], add=True)
            return carry

        lax.fori_loop(0, NCH, chunk, 0)
        plsc.subcore_barrier()
        pltpu.sync_copy(agg_sh.at[pl.ds(base, ROWS_PER_TILE)],
                        agg_o.at[rel, pl.ds(base, ROWS_PER_TILE)])
        pltpu.sync_copy(deg_v, deg_o.at[rel, sid])

    @pl.when(cid == 0)
    def _():
        run(0, s0_h, d0_h)

    @pl.when(cid == 1)
    def _():
        run(1, s1_h, d1_h)


@jax.jit
def _sc_aggregate(x, s0, d0, s1, d1):
    zrow = jnp.zeros((ROWS_PER_TILE, FEATS), jnp.float32)
    zdeg = jnp.zeros((N_PAD,), jnp.float32)
    mesh = plsc.VectorSubcoreMesh(core_axis_name="c", subcore_axis_name="s")
    f = pl.kernel(
        _sc_body,
        out_type=(
            jax.ShapeDtypeStruct((NCORE, N_PAD, FEATS), jnp.float32),
            jax.ShapeDtypeStruct((NCORE, NTILE, N_PAD), jnp.float32),
        ),
        mesh=mesh,
        scratch_types=[
            pltpu.VMEM((NCH, CHUNK), jnp.int32),
            pltpu.VMEM((NCH, CHUNK), jnp.int32),
            pltpu.VMEM((CHUNK, FEATS), jnp.float32),
            pltpu.VMEM((N_PAD,), jnp.float32),
            pltpu.VMEM_SHARED((N_PAD, FEATS), jnp.float32),
            pltpu.SemaphoreType.DMA,
        ],
        compiler_params=pltpu.CompilerParams(needs_layout_passes=False),
    )
    return f(x, s0, d0, s1, d1, zrow, zdeg)


def _tc_body(x_r, a_r, g_r, ws0_r, wn0_r, ws1_r, wn1_r, b_r, o_r):
    d0 = jnp.maximum(jnp.sum(g_r[0], axis=0), 1.0)[:, None]
    d1 = jnp.maximum(jnp.sum(g_r[1], axis=0), 1.0)[:, None]
    h0 = a_r[0] / d0
    h1 = a_r[1] / d1
    ws = ws0_r[...] + ws1_r[...]
    acc = jnp.dot(x_r[...], ws, preferred_element_type=jnp.float32)
    acc = acc + jnp.dot(h0, wn0_r[...], preferred_element_type=jnp.float32)
    acc = acc + jnp.dot(h1, wn1_r[...], preferred_element_type=jnp.float32)
    o_r[...] = acc + b_r[...]


BLK = 2048


@jax.jit
def _tc_combine(x, agg, deg, ws0, wn0, ws1, wn1, b):
    nblk = (N_NODES + BLK - 1) // BLK
    w_spec = pl.BlockSpec((FEATS, FEATS), lambda i: (0, 0))
    return pl.pallas_call(
        _tc_body,
        grid=(nblk,),
        in_specs=[
            pl.BlockSpec((BLK, FEATS), lambda i: (i, 0)),
            pl.BlockSpec((2, BLK, FEATS), lambda i: (0, i, 0)),
            pl.BlockSpec((2, NTILE, BLK), lambda i: (0, 0, i)),
            w_spec, w_spec, w_spec, w_spec,
            pl.BlockSpec((1, FEATS), lambda i: (0, 0)),
        ],
        out_specs=pl.BlockSpec((BLK, FEATS), lambda i: (i, 0)),
        out_shape=jax.ShapeDtypeStruct((N_NODES, FEATS), jnp.float32),
    )(x, agg, deg, ws0, wn0, ws1, wn1, b)


def _prep_edges(edge_index):
    src = edge_index[0].astype(jnp.int32)
    dst = edge_index[1].astype(jnp.int32)
    pad = E_PAD - E_PER_REL
    src = jnp.concatenate([src, jnp.zeros((pad,), jnp.int32)])
    dst = jnp.concatenate([dst, jnp.full((pad,), N_NODES, jnp.int32)])
    return src.reshape(NTILE, NCH, CHUNK), dst.reshape(NTILE, NCH, CHUNK)


def kernel(x, edge_index_rel0, edge_index_rel1,
           W_self_rel0, W_neigh_rel0, b_rel0,
           W_self_rel1, W_neigh_rel1, b_rel1):
    s0, d0 = _prep_edges(edge_index_rel0)
    s1, d1 = _prep_edges(edge_index_rel1)
    agg, deg = _sc_aggregate(x, s0, d0, s1, d1)
    b = (b_rel0 + b_rel1).reshape(1, FEATS)
    return _tc_combine(x, agg, deg, W_self_rel0, W_neigh_rel0,
                       W_self_rel1, W_neigh_rel1, b)

# --- scband reference (transcript-rebuilt; emitter-appended) ---
"""Pipeline reference for scband-gnnconv-1layer-47665547051618 (READ-ONLY COPY).

The authoritative reference and input builder live on the scoring server;
editing this copy changes nothing except your own understanding.
"""

import jax, jax.numpy as jnp
import numpy as np

N_NODES = 10000
IN_FEATS = 128
OUT_FEATS = 128
E_PER_REL = 160000


def setup_inputs(seed: int = 0) -> dict:
    key = jax.random.key(seed)
    ks = jax.random.split(key, 10)
    x = jax.random.normal(ks[0], (N_NODES, IN_FEATS), dtype=jnp.float32)
    edge_index_rel0 = jax.random.randint(ks[1], (2, E_PER_REL), 0, N_NODES, dtype=jnp.int64)
    edge_index_rel1 = jax.random.randint(ks[2], (2, E_PER_REL), 0, N_NODES, dtype=jnp.int64)
    s = 1.0 / np.sqrt(IN_FEATS)
    W_self_rel0 = jax.random.uniform(ks[3], (IN_FEATS, OUT_FEATS), minval=-s, maxval=s, dtype=jnp.float32)
    W_neigh_rel0 = jax.random.uniform(ks[4], (IN_FEATS, OUT_FEATS), minval=-s, maxval=s, dtype=jnp.float32)
    b_rel0 = jnp.zeros((OUT_FEATS,), dtype=jnp.float32)
    W_self_rel1 = jax.random.uniform(ks[5], (IN_FEATS, OUT_FEATS), minval=-s, maxval=s, dtype=jnp.float32)
    W_neigh_rel1 = jax.random.uniform(ks[6], (IN_FEATS, OUT_FEATS), minval=-s, maxval=s, dtype=jnp.float32)
    b_rel1 = jnp.zeros((OUT_FEATS,), dtype=jnp.float32)
    return {"x": x, "edge_index_rel0": edge_index_rel0, "edge_index_rel1": edge_index_rel1,
            "W_self_rel0": W_self_rel0, "W_neigh_rel0": W_neigh_rel0, "b_rel0": b_rel0,
            "W_self_rel1": W_self_rel1, "W_neigh_rel1": W_neigh_rel1, "b_rel1": b_rel1}


def _sage_mean(x, edge_index, W_self, W_neigh, b):
    # DGL SAGEConv with 'mean' aggregator:
    #   h_neigh = mean_{u in N(v)} x_u ; out = fc_self(x_v) + fc_neigh(h_neigh) + bias
    src = edge_index[0]
    dst = edge_index[1]
    n = x.shape[0]
    msg = jnp.take(x, src, axis=0)                          # gather over edges
    agg = jax.ops.segment_sum(msg, dst, num_segments=n)     # scatter-add by dst
    deg = jax.ops.segment_sum(jnp.ones((edge_index.shape[1],), dtype=x.dtype), dst, num_segments=n)
    h_neigh = agg / jnp.maximum(deg, 1.0)[:, None]
    return x @ W_self + h_neigh @ W_neigh + b


def reference(x, edge_index_rel0, edge_index_rel1,
              W_self_rel0, W_neigh_rel0, b_rel0,
              W_self_rel1, W_neigh_rel1, b_rel1):
    # HeteroGraphConv({rel: SAGEConv(...)}, aggregate='sum') over a single node type:
    # sum of per-relation SAGEConv outputs.
    out0 = _sage_mean(x, edge_index_rel0, W_self_rel0, W_neigh_rel0, b_rel0)
    out1 = _sage_mean(x, edge_index_rel1, W_self_rel1, W_neigh_rel1, b_rel1)
    return out0 + out1

if __name__ == "__main__":
    import jax
    _d = setup_inputs()
    print(jax.jit(kernel)(*tuple(_d.values())))

</pallas_src>

<mosaic_0001>
#map = affine_map<(d0, d1) -> (0, 0)>
#map1 = affine_map<(d0, d1) -> (0, 0, 0)>
#map2 = affine_map<(d0, d1) -> (0)>
module attributes {stable_mosaic.version = 14 : i64} {
  func.func @_sc_body(%arg0: i32, %arg1: i32, %arg2: memref<10000x128xf32, #tpu.memory_space<hbm>>, %arg3: memref<16x79x128xi32, #tpu.memory_space<hbm>>, %arg4: memref<16x79x128xi32, #tpu.memory_space<hbm>>, %arg5: memref<16x79x128xi32, #tpu.memory_space<hbm>>, %arg6: memref<16x79x128xi32, #tpu.memory_space<hbm>>, %arg7: memref<640x128xf32, #tpu.memory_space<hbm>>, %arg8: memref<10240xf32, #tpu.memory_space<hbm>>, %arg9: memref<2x10240x128xf32, #tpu.memory_space<hbm>>, %arg10: memref<2x16x10240xf32, #tpu.memory_space<hbm>>, %arg11: memref<79x128xi32, #tpu.memory_space<vmem>>, %arg12: memref<79x128xi32, #tpu.memory_space<vmem>>, %arg13: memref<128x128xf32, #tpu.memory_space<vmem>>, %arg14: memref<10240xf32, #tpu.memory_space<vmem>>, %arg15: memref<10240x128xf32, #tpu.memory_space<vmem_shared>>, %arg16: memref<!tpu.dma_semaphore, #tpu.memory_space<semaphore_mem>>) attributes {dimension_semantics = [#tpu.dimension_semantics<core_parallel>, #tpu.dimension_semantics<subcore_parallel>], iteration_bounds = array<i64: 2, 16>, scalar_prefetch = 0 : i64, scratch_operands = 6 : i64, tpu.core_type = #tpu.core_type<sc_vector_subcore>, window_params = [{transform_indices = #map}, {transform_indices = #map1}, {transform_indices = #map1}, {transform_indices = #map1}, {transform_indices = #map1}, {transform_indices = #map}, {transform_indices = #map2}, {transform_indices = #map1}, {transform_indices = #map1}]} {
    %mul3A = arith.constant 640 : i32
    %mul3A_0 = arith.muli %arg1, %mul3A : i32
    "tpu.region"() ({
      %run_scoped3A = tpu.sem_alloc : memref<!tpu.dma_semaphore, #tpu.memory_space<semaphore_mem>>
      %dma_start3A = arith.constant 0 : i32
      %dma_start3A_9 = tpu.memref_slice %arg15[%mul3A_0, %dma_start3A] : memref<10240x128xf32, #tpu.memory_space<vmem_shared>> -> memref<640x128xf32, #tpu.memory_space<vmem_shared>>
      tpu.enqueue_dma source(%arg7 : memref<640x128xf32, #tpu.memory_space<hbm>>) target(%dma_start3A_9 : memref<640x128xf32, #tpu.memory_space<vmem_shared>>) target_semaphore(%run_scoped3A : memref<!tpu.dma_semaphore, #tpu.memory_space<semaphore_mem>>)
      %dma_wait3A = arith.constant 0 : i32
      %dma_wait3A_10 = tpu.memref_slice %arg15[%mul3A_0, %dma_wait3A] : memref<10240x128xf32, #tpu.memory_space<vmem_shared>> -> memref<640x128xf32, #tpu.memory_space<vmem_shared>>
      tpu.wait_dma2 semaphore(%run_scoped3A : memref<!tpu.dma_semaphore, #tpu.memory_space<semaphore_mem>>) src(%arg7 : memref<640x128xf32, #tpu.memory_space<hbm>>) dst(%dma_wait3A_10 : memref<640x128xf32, #tpu.memory_space<vmem_shared>>)
      tpu.yield
    }) : () -> ()
    "tpu.region"() ({
      %run_scoped3A = tpu.sem_alloc : memref<!tpu.dma_semaphore, #tpu.memory_space<semaphore_mem>>
      tpu.enqueue_dma source(%arg8 : memref<10240xf32, #tpu.memory_space<hbm>>) target(%arg14 : memref<10240xf32, #tpu.memory_space<vmem>>) target_semaphore(%run_scoped3A : memref<!tpu.dma_semaphore, #tpu.memory_space<semaphore_mem>>)
      tpu.wait_dma2 semaphore(%run_scoped3A : memref<!tpu.dma_semaphore, #tpu.memory_space<semaphore_mem>>) src(%arg8 : memref<10240xf32, #tpu.memory_space<hbm>>) dst(%arg14 : memref<10240xf32, #tpu.memory_space<vmem>>)
      tpu.yield
    }) : () -> ()
    %barrier3A = arith.constant 0 : index
    tpu.barrier barrier_id(%barrier3A)
    %broadcast_in_dim3A = arith.constant 1.000000e+00 : f32
    %broadcast_in_dim3A_1 = vector.broadcast %broadcast_in_dim3A : f32 to vector<16xf32>
    %eq3A = arith.constant 0 : i32
    %eq3A_2 = arith.cmpi eq, %arg0, %eq3A : i32
    %convert_element_type3A = arith.extui %eq3A_2 : i1 to i32
    %cond3A = arith.constant 0 : i32
    %cond3A_3 = arith.cmpi ne, %convert_element_type3A, %cond3A : i32
    scf.if %cond3A_3 {
      "tpu.region"() ({
        %run_scoped3A_16 = tpu.sem_alloc : memref<!tpu.dma_semaphore, #tpu.memory_space<semaphore_mem>>
        %dma_start3A = arith.constant 0 : i32
        %dma_start3A_17 = arith.constant 0 : i32
        %dma_start3A_18 = tpu.memref_slice %arg3[%arg1, %dma_start3A, %dma_start3A_17] : memref<16x79x128xi32, #tpu.memory_space<hbm>> -> memref<1x79x128xi32, #tpu.memory_space<hbm>>
        %dma_start3A_19 = tpu.memref_squeeze %dma_start3A_18 : memref<1x79x128xi32, #tpu.memory_space<hbm>> -> memref<79x128xi32, #tpu.memory_space<hbm>>
        %dma_start3A_20 = arith.constant 0 : i32
        %dma_start3A_21 = arith.constant 0 : i32
        %dma_start3A_22 = tpu.memref_slice %arg3[%arg1, %dma_start3A_20, %dma_start3A_21] : memref<16x79x128xi32, #tpu.memory_space<hbm>> -> memref<1x79x128xi32, #tpu.memory_space<hbm>>
        %dma_start3A_23 = tpu.memref_squeeze %dma_start3A_22 : memref<1x79x128xi32, #tpu.memory_space<hbm>> -> memref<79x128xi32, #tpu.memory_space<hbm>>
        tpu.enqueue_dma source(%dma_start3A_23 : memref<79x128xi32, #tpu.memory_space<hbm>>) target(%arg11 : memref<79x128xi32, #tpu.memory_space<vmem>>) target_semaphore(%run_scoped3A_16 : memref<!tpu.dma_semaphore, #tpu.memory_space<semaphore_mem>>)
        %dma_wait3A = arith.constant 0 : i32
        %dma_wait3A_24 = arith.constant 0 : i32
        %dma_wait3A_25 = tpu.memref_slice %arg3[%arg1, %dma_wait3A, %dma_wait3A_24] : memref<16x79x128xi32, #tpu.memory_space<hbm>> -> memref<1x79x128xi32, #tpu.memory_space<hbm>>
        %dma_wait3A_26 = tpu.memref_squeeze %dma_wait3A_25 : memref<1x79x128xi32, #tpu.memory_space<hbm>> -> memref<79x128xi32, #tpu.memory_space<hbm>>
        %dma_wait3A_27 = arith.constant 0 : i32
        %dma_wait3A_28 = arith.constant 0 : i32
        %dma_wait3A_29 = tpu.memref_slice %arg3[%arg1, %dma_wait3A_27, %dma_wait3A_28] : memref<16x79x128xi32, #tpu.memory_space<hbm>> -> memref<1x79x128xi32, #tpu.memory_space<hbm>>
        %dma_wait3A_30 = tpu.memref_squeeze %dma_wait3A_29 : memref<1x79x128xi32, #tpu.memory_space<hbm>> -> memref<79x128xi32, #tpu.memory_space<hbm>>
        tpu.wait_dma2 semaphore(%run_scoped3A_16 : memref<!tpu.dma_semaphore, #tpu.memory_space<semaphore_mem>>) src(%dma_wait3A_30 : memref<79x128xi32, #tpu.memory_space<hbm>>) dst(%arg11 : memref<79x128xi32, #tpu.memory_space<vmem>>)
        tpu.yield
      }) : () -> ()
      "tpu.region"() ({
        %run_scoped3A_16 = tpu.sem_alloc : memref<!tpu.dma_semaphore, #tpu.memory_space<semaphore_mem>>
        %dma_start3A = arith.constant 0 : i32
        %dma_start3A_17 = arith.constant 0 : i32
        %dma_start3A_18 = tpu.memref_slice %arg4[%arg1, %dma_start3A, %dma_start3A_17] : memref<16x79x128xi32, #tpu.memory_space<hbm>> -> memref<1x79x128xi32, #tpu.memory_space<hbm>>
        %dma_start3A_19 = tpu.memref_squeeze %dma_start3A_18 : memref<1x79x128xi32, #tpu.memory_space<hbm>> -> memref<79x128xi32, #tpu.memory_space<hbm>>
        %dma_start3A_20 = arith.constant 0 : i32
        %dma_start3A_21 = arith.constant 0 : i32
        %dma_start3A_22 = tpu.memref_slice %arg4[%arg1, %dma_start3A_20, %dma_start3A_21] : memref<16x79x128xi32, #tpu.memory_space<hbm>> -> memref<1x79x128xi32, #tpu.memory_space<hbm>>
        %dma_start3A_23 = tpu.memref_squeeze %dma_start3A_22 : memref<1x79x128xi32, #tpu.memory_space<hbm>> -> memref<79x128xi32, #tpu.memory_space<hbm>>
        tpu.enqueue_dma source(%dma_start3A_23 : memref<79x128xi32, #tpu.memory_space<hbm>>) target(%arg12 : memref<79x128xi32, #tpu.memory_space<vmem>>) target_semaphore(%run_scoped3A_16 : memref<!tpu.dma_semaphore, #tpu.memory_space<semaphore_mem>>)
        %dma_wait3A = arith.constant 0 : i32
        %dma_wait3A_24 = arith.constant 0 : i32
        %dma_wait3A_25 = tpu.memref_slice %arg4[%arg1, %dma_wait3A, %dma_wait3A_24] : memref<16x79x128xi32, #tpu.memory_space<hbm>> -> memref<1x79x128xi32, #tpu.memory_space<hbm>>
        %dma_wait3A_26 = tpu.memref_squeeze %dma_wait3A_25 : memref<1x79x128xi32, #tpu.memory_space<hbm>> -> memref<79x128xi32, #tpu.memory_space<hbm>>
        %dma_wait3A_27 = arith.constant 0 : i32
        %dma_wait3A_28 = arith.constant 0 : i32
        %dma_wait3A_29 = tpu.memref_slice %arg4[%arg1, %dma_wait3A_27, %dma_wait3A_28] : memref<16x79x128xi32, #tpu.memory_space<hbm>> -> memref<1x79x128xi32, #tpu.memory_space<hbm>>
        %dma_wait3A_30 = tpu.memref_squeeze %dma_wait3A_29 : memref<1x79x128xi32, #tpu.memory_space<hbm>> -> memref<79x128xi32, #tpu.memory_space<hbm>>
        tpu.wait_dma2 semaphore(%run_scoped3A_16 : memref<!tpu.dma_semaphore, #tpu.memory_space<semaphore_mem>>) src(%dma_wait3A_30 : memref<79x128xi32, #tpu.memory_space<hbm>>) dst(%arg12 : memref<79x128xi32, #tpu.memory_space<vmem>>)
        tpu.yield
      }) : () -> ()
      %scan3A = arith.constant 0 : i32
      %scan3A_9 = arith.constant 0 : i32
      %scan3A_10 = arith.constant 79 : i32
      %scan3A_11 = arith.addi %scan3A_9, %scan3A_10 : i32
      %scan3A_12 = arith.constant 1 : i32
      scf.for %scan3A_16 = %scan3A_9 to %scan3A_11 step %scan3A_12  : i32 {
        %dma_start3A = arith.constant 0 : i32
        %dma_start3A_17 = tpu.memref_slice %arg11[%scan3A_16, %dma_start3A] : memref<79x128xi32, #tpu.memory_space<vmem>> -> memref<1x128xi32, #tpu.memory_space<vmem>>
        %dma_start3A_18 = tpu.memref_squeeze %dma_start3A_17 : memref<1x128xi32, #tpu.memory_space<vmem>> -> memref<128xi32, #tpu.memory_space<vmem>>
        %dma_start3A_19 = arith.constant 0 : i32
        %dma_start3A_20 = arith.constant 0 : i32
        %dma_start3A_21 = tpu.memref_slice %arg2[%dma_start3A_19, %dma_start3A_20] : memref<10000x128xf32, #tpu.memory_space<hbm>> -> memref<10000x128xf32, #tpu.memory_space<hbm>>
        tpu.enqueue_indirect_dma source(%dma_start3A_21 : memref<10000x128xf32, #tpu.memory_space<hbm>>) target(%arg13 : memref<128x128xf32, #tpu.memory_space<vmem>>) offsets(%dma_start3A_18 : memref<128xi32, #tpu.memory_space<vmem>>) semaphore(%arg16 : memref<!tpu.dma_semaphore, #tpu.memory_space<semaphore_mem>>)
        %get3A = arith.index_cast %scan3A_16 : i32 to index
        %get3A_22 = arith.constant 0 : index
        %get3A_23 = tpu.vector_load %arg12[%get3A, %get3A_22] {strides = array<i32>} : memref<79x128xi32, #tpu.memory_space<vmem>>, vector<16xi32>,
        tpu.vector_store_idx %arg14[%get3A_23], %broadcast_in_dim3A_1 {add = true} : memref<10240xf32, #tpu.memory_space<vmem>>[vector<16xi32>], vector<16xf32>,
        %get3A_24 = arith.index_cast %scan3A_16 : i32 to index
        %get3A_25 = arith.constant 16 : index
        %get3A_26 = tpu.vector_load %arg12[%get3A_24, %get3A_25] {strides = array<i32>} : memref<79x128xi32, #tpu.memory_space<vmem>>, vector<16xi32>,
        tpu.vector_store_idx %arg14[%get3A_26], %broadcast_in_dim3A_1 {add = true} : memref<10240xf32, #tpu.memory_space<vmem>>[vector<16xi32>], vector<16xf32>,
        %get3A_27 = arith.index_cast %scan3A_16 : i32 to index
        %get3A_28 = arith.constant 32 : index
        %get3A_29 = tpu.vector_load %arg12[%get3A_27, %get3A_28] {strides = array<i32>} : memref<79x128xi32, #tpu.memory_space<vmem>>, vector<16xi32>,
        tpu.vector_store_idx %arg14[%get3A_29], %broadcast_in_dim3A_1 {add = true} : memref<10240xf32, #tpu.memory_space<vmem>>[vector<16xi32>], vector<16xf32>,
        %get3A_30 = arith.index_cast %scan3A_16 : i32 to index
        %get3A_31 = arith.constant 48 : index
        %get3A_32 = tpu.vector_load %arg12[%get3A_30, %get3A_31] {strides = array<i32>} : memref<79x128xi32, #tpu.memory_space<vmem>>, vector<16xi32>,
        tpu.vector_store_idx %arg14[%get3A_32], %broadcast_in_dim3A_1 {add = true} : memref<10240xf32, #tpu.memory_space<vmem>>[vector<16xi32>], vector<16xf32>,
        %get3A_33 = arith.index_cast %scan3A_16 : i32 to index
        %get3A_34 = arith.constant 64 : index
        %get3A_35 = tpu.vector_load %arg12[%get3A_33, %get3A_34] {strides = array<i32>} : memref<79x128xi32, #tpu.memory_space<vmem>>, vector<16xi32>,
        tpu.vector_store_idx %arg14[%get3A_35], %broadcast_in_dim3A_1 {add = true} : memref<10240xf32, #tpu.memory_space<vmem>>[vector<16xi32>], vector<16xf32>,
        %get3A_36 = arith.index_cast %scan3A_16 : i32 to index
        %get3A_37 = arith.constant 80 : index
        %get3A_38 = tpu.vector_load %arg12[%get3A_36, %get3A_37] {strides = array<i32>} : memref<79x128xi32, #tpu.memory_space<vmem>>, vector<16xi32>,
        tpu.vector_store_idx %arg14[%get3A_38], %broadcast_in_dim3A_1 {add = true} : memref<10240xf32, #tpu.memory_space<vmem>>[vector<16xi32>], vector<16xf32>,
        %get3A_39 = arith.index_cast %scan3A_16 : i32 to index
        %get3A_40 = arith.constant 96 : index
        %get3A_41 = tpu.vector_load %arg12[%get3A_39, %get3A_40] {strides = array<i32>} : memref<79x128xi32, #tpu.memory_space<vmem>>, vector<16xi32>,
        tpu.vector_store_idx %arg14[%get3A_41], %broadcast_in_dim3A_1 {add = true} : memref<10240xf32, #tpu.memory_space<vmem>>[vector<16xi32>], vector<16xf32>,
        %get3A_42 = arith.index_cast %scan3A_16 : i32 to index
        %get3A_43 = arith.constant 112 : index
        %get3A_44 = tpu.vector_load %arg12[%get3A_42, %get3A_43] {strides = array<i32>} : memref<79x128xi32, #tpu.memory_space<vmem>>, vector<16xi32>,
        tpu.vector_store_idx %arg14[%get3A_44], %broadcast_in_dim3A_1 {add = true} : memref<10240xf32, #tpu.memory_space<vmem>>[vector<16xi32>], vector<16xf32>,
        %dma_wait3A = arith.constant 0 : i32
        %dma_wait3A_45 = tpu.memref_slice %arg11[%scan3A_16, %dma_wait3A] : memref<79x128xi32, #tpu.memory_space<vmem>> -> memref<1x128xi32, #tpu.memory_space<vmem>>
        %dma_wait3A_46 = tpu.memref_squeeze %dma_wait3A_45 : memref<1x128xi32, #tpu.memory_space<vmem>> -> memref<128xi32, #tpu.memory_space<vmem>>
        %dma_wait3A_47 = arith.constant 0 : i32
        %dma_wait3A_48 = arith.constant 0 : i32
        %dma_wait3A_49 = tpu.memref_slice %arg2[%dma_wait3A_47, %dma_wait3A_48] : memref<10000x128xf32, #tpu.memory_space<hbm>> -> memref<10000x128xf32, #tpu.memory_space<hbm>>
        tpu.wait_indirect_dma semaphore(%arg16 : memref<!tpu.dma_semaphore, #tpu.memory_space<semaphore_mem>>) src(%dma_wait3A_49 : memref<10000x128xf32, #tpu.memory_space<hbm>>) dst(%arg13 : memref<128x128xf32, #tpu.memory_space<vmem>>)
        "tpu.region"() ({
          %run_scoped3A_50 = tpu.sem_alloc : memref<!tpu.dma_semaphore, #tpu.memory_space<semaphore_mem>>
          %dma_start3A_51 = arith.constant 0 : i32
          %dma_start3A_52 = tpu.memref_slice %arg12[%scan3A_16, %dma_start3A_51] : memref<79x128xi32, #tpu.memory_space<vmem>> -> memref<1x128xi32, #tpu.memory_space<vmem>>
          %dma_start3A_53 = tpu.memref_squeeze %dma_start3A_52 : memref<1x128xi32, #tpu.memory_space<vmem>> -> memref<128xi32, #tpu.memory_space<vmem>>
          %dma_start3A_54 = arith.constant 0 : i32
          %dma_start3A_55 = arith.constant 0 : i32
          %dma_start3A_56 = tpu.memref_slice %arg15[%dma_start3A_54, %dma_start3A_55] : memref<10240x128xf32, #tpu.memory_space<vmem_shared>> -> memref<10240x128xf32, #tpu.memory_space<vmem_shared>>
          tpu.enqueue_indirect_dma source(%arg13 : memref<128x128xf32, #tpu.memory_space<vmem>>) target(%dma_start3A_56 : memref<10240x128xf32, #tpu.memory_space<vmem_shared>>) offsets(%dma_start3A_53 : memref<128xi32, #tpu.memory_space<vmem>>) semaphore(%run_scoped3A_50 : memref<!tpu.dma_semaphore, #tpu.memory_space<semaphore_mem>>) {add = true}
          %dma_wait3A_57 = arith.constant 0 : i32
          %dma_wait3A_58 = tpu.memref_slice %arg12[%scan3A_16, %dma_wait3A_57] : memref<79x128xi32, #tpu.memory_space<vmem>> -> memref<1x128xi32, #tpu.memory_space<vmem>>
          %dma_wait3A_59 = tpu.memref_squeeze %dma_wait3A_58 : memref<1x128xi32, #tpu.memory_space<vmem>> -> memref<128xi32, #tpu.memory_space<vmem>>
          %dma_wait3A_60 = arith.constant 0 : i32
          %dma_wait3A_61 = arith.constant 0 : i32
          %dma_wait3A_62 = tpu.memref_slice %arg15[%dma_wait3A_60, %dma_wait3A_61] : memref<10240x128xf32, #tpu.memory_space<vmem_shared>> -> memref<10240x128xf32, #tpu.memory_space<vmem_shared>>
          tpu.wait_indirect_dma semaphore(%run_scoped3A_50 : memref<!tpu.dma_semaphore, #tpu.memory_space<semaphore_mem>>) src(%arg13 : memref<128x128xf32, #tpu.memory_space<vmem>>) dst(%dma_wait3A_62 : memref<10240x128xf32, #tpu.memory_space<vmem_shared>>)
          tpu.yield
        }) : () -> ()
      }
      %scan3A_13 = arith.constant 79 : i32
      %barrier3A_14 = arith.constant 0 : index
      tpu.barrier barrier_id(%barrier3A_14)
      %run_scoped3A = arith.constant 0 : i32
      "tpu.region"() ({
        %run_scoped3A_16 = tpu.sem_alloc : memref<!tpu.dma_semaphore, #tpu.memory_space<semaphore_mem>>
        %dma_start3A = arith.constant 0 : i32
        %dma_start3A_17 = tpu.memref_slice %arg9[%run_scoped3A, %mul3A_0, %dma_start3A] : memref<2x10240x128xf32, #tpu.memory_space<hbm>> -> memref<1x640x128xf32, #tpu.memory_space<hbm>>
        %dma_start3A_18 = tpu.memref_squeeze %dma_start3A_17 : memref<1x640x128xf32, #tpu.memory_space<hbm>> -> memref<640x128xf32, #tpu.memory_space<hbm>>
        %dma_start3A_19 = arith.constant 0 : i32
        %dma_start3A_20 = tpu.memref_slice %arg15[%mul3A_0, %dma_start3A_19] : memref<10240x128xf32, #tpu.memory_space<vmem_shared>> -> memref<640x128xf32, #tpu.memory_space<vmem_shared>>
        tpu.enqueue_dma source(%dma_start3A_20 : memref<640x128xf32, #tpu.memory_space<vmem_shared>>) target(%dma_start3A_18 : memref<640x128xf32, #tpu.memory_space<hbm>>) target_semaphore(%run_scoped3A_16 : memref<!tpu.dma_semaphore, #tpu.memory_space<semaphore_mem>>)
        %dma_wait3A = arith.constant 0 : i32
        %dma_wait3A_21 = tpu.memref_slice %arg9[%run_scoped3A, %mul3A_0, %dma_wait3A] : memref<2x10240x128xf32, #tpu.memory_space<hbm>> -> memref<1x640x128xf32, #tpu.memory_space<hbm>>
        %dma_wait3A_22 = tpu.memref_squeeze %dma_wait3A_21 : memref<1x640x128xf32, #tpu.memory_space<hbm>> -> memref<640x128xf32, #tpu.memory_space<hbm>>
        %dma_wait3A_23 = arith.constant 0 : i32
        %dma_wait3A_24 = tpu.memref_slice %arg15[%mul3A_0, %dma_wait3A_23] : memref<10240x128xf32, #tpu.memory_space<vmem_shared>> -> memref<640x128xf32, #tpu.memory_space<vmem_shared>>
        tpu.wait_dma2 semaphore(%run_scoped3A_16 : memref<!tpu.dma_semaphore, #tpu.memory_space<semaphore_mem>>) src(%dma_wait3A_24 : memref<640x128xf32, #tpu.memory_space<vmem_shared>>) dst(%dma_wait3A_22 : memref<640x128xf32, #tpu.memory_space<hbm>>)
        tpu.yield
      }) : () -> ()
      %run_scoped3A_15 = arith.constant 0 : i32
      "tpu.region"() ({
        %run_scoped3A_16 = tpu.sem_alloc : memref<!tpu.dma_semaphore, #tpu.memory_space<semaphore_mem>>
        %dma_start3A = arith.constant 0 : i32
        %dma_start3A_17 = tpu.memref_slice %arg10[%run_scoped3A_15, %arg1, %dma_start3A] : memref<2x16x10240xf32, #tpu.memory_space<hbm>> -> memref<1x1x10240xf32, #tpu.memory_space<hbm>>
        %dma_start3A_18 = tpu.memref_squeeze %dma_start3A_17 : memref<1x1x10240xf32, #tpu.memory_space<hbm>> -> memref<10240xf32, #tpu.memory_space<hbm>>
        %dma_start3A_19 = arith.constant 0 : i32
        %dma_start3A_20 = tpu.memref_slice %arg10[%run_scoped3A_15, %arg1, %dma_start3A_19] : memref<2x16x10240xf32, #tpu.memory_space<hbm>> -> memref<1x1x10240xf32, #tpu.memory_space<hbm>>
        %dma_start3A_21 = tpu.memref_squeeze %dma_start3A_20 : memref<1x1x10240xf32, #tpu.memory_space<hbm>> -> memref<10240xf32, #tpu.memory_space<hbm>>
        tpu.enqueue_dma source(%arg14 : memref<10240xf32, #tpu.memory_space<vmem>>) target(%dma_start3A_21 : memref<10240xf32, #tpu.memory_space<hbm>>) target_semaphore(%run_scoped3A_16 : memref<!tpu.dma_semaphore, #tpu.memory_space<semaphore_mem>>)
        %dma_wait3A = arith.constant 0 : i32
        %dma_wait3A_22 = tpu.memref_slice %arg10[%run_scoped3A_15, %arg1, %dma_wait3A] : memref<2x16x10240xf32, #tpu.memory_space<hbm>> -> memref<1x1x10240xf32, #tpu.memory_space<hbm>>
        %dma_wait3A_23 = tpu.memref_squeeze %dma_wait3A_22 : memref<1x1x10240xf32, #tpu.memory_space<hbm>> -> memref<10240xf32, #tpu.memory_space<hbm>>
        %dma_wait3A_24 = arith.constant 0 : i32
        %dma_wait3A_25 = tpu.memref_slice %arg10[%run_scoped3A_15, %arg1, %dma_wait3A_24] : memref<2x16x10240xf32, #tpu.memory_space<hbm>> -> memref<1x1x10240xf32, #tpu.memory_space<hbm>>
        %dma_wait3A_26 = tpu.memref_squeeze %dma_wait3A_25 : memref<1x1x10240xf32, #tpu.memory_space<hbm>> -> memref<10240xf32, #tpu.memory_space<hbm>>
        tpu.wait_dma2 semaphore(%run_scoped3A_16 : memref<!tpu.dma_semaphore, #tpu.memory_space<semaphore_mem>>) src(%arg14 : memref<10240xf32, #tpu.memory_space<vmem>>) dst(%dma_wait3A_26 : memref<10240xf32, #tpu.memory_space<hbm>>)
        tpu.yield
      }) : () -> ()
    } else {
    }
    %eq3A_4 = arith.constant 1 : i32
    %eq3A_5 = arith.cmpi eq, %arg0, %eq3A_4 : i32
    %convert_element_type3A_6 = arith.extui %eq3A_5 : i1 to i32
    %cond3A_7 = arith.constant 0 : i32
    %cond3A_8 = arith.cmpi ne, %convert_element_type3A_6, %cond3A_7 : i32
    scf.if %cond3A_8 {
      "tpu.region"() ({
        %run_scoped3A_16 = tpu.sem_alloc : memref<!tpu.dma_semaphore, #tpu.memory_space<semaphore_mem>>
        %dma_start3A = arith.constant 0 : i32
        %dma_start3A_17 = arith.constant 0 : i32
        %dma_start3A_18 = tpu.memref_slice %arg5[%arg1, %dma_start3A, %dma_start3A_17] : memref<16x79x128xi32, #tpu.memory_space<hbm>> -> memref<1x79x128xi32, #tpu.memory_space<hbm>>
        %dma_start3A_19 = tpu.memref_squeeze %dma_start3A_18 : memref<1x79x128xi32, #tpu.memory_space<hbm>> -> memref<79x128xi32, #tpu.memory_space<hbm>>
        %dma_start3A_20 = arith.constant 0 : i32
        %dma_start3A_21 = arith.constant 0 : i32
        %dma_start3A_22 = tpu.memref_slice %arg5[%arg1, %dma_start3A_20, %dma_start3A_21] : memref<16x79x128xi32, #tpu.memory_space<hbm>> -> memref<1x79x128xi32, #tpu.memory_space<hbm>>
        %dma_start3A_23 = tpu.memref_squeeze %dma_start3A_22 : memref<1x79x128xi32, #tpu.memory_space<hbm>> -> memref<79x128xi32, #tpu.memory_space<hbm>>
        tpu.enqueue_dma source(%dma_start3A_23 : memref<79x128xi32, #tpu.memory_space<hbm>>) target(%arg11 : memref<79x128xi32, #tpu.memory_space<vmem>>) target_semaphore(%run_scoped3A_16 : memref<!tpu.dma_semaphore, #tpu.memory_space<semaphore_mem>>)
        %dma_wait3A = arith.constant 0 : i32
        %dma_wait3A_24 = arith.constant 0 : i32
        %dma_wait3A_25 = tpu.memref_slice %arg5[%arg1, %dma_wait3A, %dma_wait3A_24] : memref<16x79x128xi32, #tpu.memory_space<hbm>> -> memref<1x79x128xi32, #tpu.memory_space<hbm>>
        %dma_wait3A_26 = tpu.memref_squeeze %dma_wait3A_25 : memref<1x79x128xi32, #tpu.memory_space<hbm>> -> memref<79x128xi32, #tpu.memory_space<hbm>>
        %dma_wait3A_27 = arith.constant 0 : i32
        %dma_wait3A_28 = arith.constant 0 : i32
        %dma_wait3A_29 = tpu.memref_slice %arg5[%arg1, %dma_wait3A_27, %dma_wait3A_28] : memref<16x79x128xi32, #tpu.memory_space<hbm>> -> memref<1x79x128xi32, #tpu.memory_space<hbm>>
        %dma_wait3A_30 = tpu.memref_squeeze %dma_wait3A_29 : memref<1x79x128xi32, #tpu.memory_space<hbm>> -> memref<79x128xi32, #tpu.memory_space<hbm>>
        tpu.wait_dma2 semaphore(%run_scoped3A_16 : memref<!tpu.dma_semaphore, #tpu.memory_space<semaphore_mem>>) src(%dma_wait3A_30 : memref<79x128xi32, #tpu.memory_space<hbm>>) dst(%arg11 : memref<79x128xi32, #tpu.memory_space<vmem>>)
        tpu.yield
      }) : () -> ()
      "tpu.region"() ({
        %run_scoped3A_16 = tpu.sem_alloc : memref<!tpu.dma_semaphore, #tpu.memory_space<semaphore_mem>>
        %dma_start3A = arith.constant 0 : i32
        %dma_start3A_17 = arith.constant 0 : i32
        %dma_start3A_18 = tpu.memref_slice %arg6[%arg1, %dma_start3A, %dma_start3A_17] : memref<16x79x128xi32, #tpu.memory_space<hbm>> -> memref<1x79x128xi32, #tpu.memory_space<hbm>>
        %dma_start3A_19 = tpu.memref_squeeze %dma_start3A_18 : memref<1x79x128xi32, #tpu.memory_space<hbm>> -> memref<79x128xi32, #tpu.memory_space<hbm>>
        %dma_start3A_20 = arith.constant 0 : i32
        %dma_start3A_21 = arith.constant 0 : i32
        %dma_start3A_22 = tpu.memref_slice %arg6[%arg1, %dma_start3A_20, %dma_start3A_21] : memref<16x79x128xi32, #tpu.memory_space<hbm>> -> memref<1x79x128xi32, #tpu.memory_space<hbm>>
        %dma_start3A_23 = tpu.memref_squeeze %dma_start3A_22 : memref<1x79x128xi32, #tpu.memory_space<hbm>> -> memref<79x128xi32, #tpu.memory_space<hbm>>
        tpu.enqueue_dma source(%dma_start3A_23 : memref<79x128xi32, #tpu.memory_space<hbm>>) target(%arg12 : memref<79x128xi32, #tpu.memory_space<vmem>>) target_semaphore(%run_scoped3A_16 : memref<!tpu.dma_semaphore, #tpu.memory_space<semaphore_mem>>)
        %dma_wait3A = arith.constant 0 : i32
        %dma_wait3A_24 = arith.constant 0 : i32
        %dma_wait3A_25 = tpu.memref_slice %arg6[%arg1, %dma_wait3A, %dma_wait3A_24] : memref<16x79x128xi32, #tpu.memory_space<hbm>> -> memref<1x79x128xi32, #tpu.memory_space<hbm>>
        %dma_wait3A_26 = tpu.memref_squeeze %dma_wait3A_25 : memref<1x79x128xi32, #tpu.memory_space<hbm>> -> memref<79x128xi32, #tpu.memory_space<hbm>>
        %dma_wait3A_27 = arith.constant 0 : i32
        %dma_wait3A_28 = arith.constant 0 : i32
        %dma_wait3A_29 = tpu.memref_slice %arg6[%arg1, %dma_wait3A_27, %dma_wait3A_28] : memref<16x79x128xi32, #tpu.memory_space<hbm>> -> memref<1x79x128xi32, #tpu.memory_space<hbm>>
        %dma_wait3A_30 = tpu.memref_squeeze %dma_wait3A_29 : memref<1x79x128xi32, #tpu.memory_space<hbm>> -> memref<79x128xi32, #tpu.memory_space<hbm>>
        tpu.wait_dma2 semaphore(%run_scoped3A_16 : memref<!tpu.dma_semaphore, #tpu.memory_space<semaphore_mem>>) src(%dma_wait3A_30 : memref<79x128xi32, #tpu.memory_space<hbm>>) dst(%arg12 : memref<79x128xi32, #tpu.memory_space<vmem>>)
        tpu.yield
      }) : () -> ()
      %scan3A = arith.constant 0 : i32
      %scan3A_9 = arith.constant 0 : i32
      %scan3A_10 = arith.constant 79 : i32
      %scan3A_11 = arith.addi %scan3A_9, %scan3A_10 : i32
      %scan3A_12 = arith.constant 1 : i32
      scf.for %scan3A_16 = %scan3A_9 to %scan3A_11 step %scan3A_12  : i32 {
        %dma_start3A = arith.constant 0 : i32
        %dma_start3A_17 = tpu.memref_slice %arg11[%scan3A_16, %dma_start3A] : memref<79x128xi32, #tpu.memory_space<vmem>> -> memref<1x128xi32, #tpu.memory_space<vmem>>
        %dma_start3A_18 = tpu.memref_squeeze %dma_start3A_17 : memref<1x128xi32, #tpu.memory_space<vmem>> -> memref<128xi32, #tpu.memory_space<vmem>>
        %dma_start3A_19 = arith.constant 0 : i32
        %dma_start3A_20 = arith.constant 0 : i32
        %dma_start3A_21 = tpu.memref_slice %arg2[%dma_start3A_19, %dma_start3A_20] : memref<10000x128xf32, #tpu.memory_space<hbm>> -> memref<10000x128xf32, #tpu.memory_space<hbm>>
        tpu.enqueue_indirect_dma source(%dma_start3A_21 : memref<10000x128xf32, #tpu.memory_space<hbm>>) target(%arg13 : memref<128x128xf32, #tpu.memory_space<vmem>>) offsets(%dma_start3A_18 : memref<128xi32, #tpu.memory_space<vmem>>) semaphore(%arg16 : memref<!tpu.dma_semaphore, #tpu.memory_space<semaphore_mem>>)
        %get3A = arith.index_cast %scan3A_16 : i32 to index
        %get3A_22 = arith.constant 0 : index
        %get3A_23 = tpu.vector_load %arg12[%get3A, %get3A_22] {strides = array<i32>} : memref<79x128xi32, #tpu.memory_space<vmem>>, vector<16xi32>,
        tpu.vector_store_idx %arg14[%get3A_23], %broadcast_in_dim3A_1 {add = true} : memref<10240xf32, #tpu.memory_space<vmem>>[vector<16xi32>], vector<16xf32>,
        %get3A_24 = arith.index_cast %scan3A_16 : i32 to index
        %get3A_25 = arith.constant 16 : index
        %get3A_26 = tpu.vector_load %arg12[%get3A_24, %get3A_25] {strides = array<i32>} : memref<79x128xi32, #tpu.memory_space<vmem>>, vector<16xi32>,
        tpu.vector_store_idx %arg14[%get3A_26], %broadcast_in_dim3A_1 {add = true} : memref<10240xf32, #tpu.memory_space<vmem>>[vector<16xi32>], vector<16xf32>,
        %get3A_27 = arith.index_cast %scan3A_16 : i32 to index
        %get3A_28 = arith.constant 32 : index
        %get3A_29 = tpu.vector_load %arg12[%get3A_27, %get3A_28] {strides = array<i32>} : memref<79x128xi32, #tpu.memory_space<vmem>>, vector<16xi32>,
        tpu.vector_store_idx %arg14[%get3A_29], %broadcast_in_dim3A_1 {add = true} : memref<10240xf32, #tpu.memory_space<vmem>>[vector<16xi32>], vector<16xf32>,
        %get3A_30 = arith.index_cast %scan3A_16 : i32 to index
        %get3A_31 = arith.constant 48 : index
        %get3A_32 = tpu.vector_load %arg12[%get3A_30, %get3A_31] {strides = array<i32>} : memref<79x128xi32, #tpu.memory_space<vmem>>, vector<16xi32>,
        tpu.vector_store_idx %arg14[%get3A_32], %broadcast_in_dim3A_1 {add = true} : memref<10240xf32, #tpu.memory_space<vmem>>[vector<16xi32>], vector<16xf32>,
        %get3A_33 = arith.index_cast %scan3A_16 : i32 to index
        %get3A_34 = arith.constant 64 : index
        %get3A_35 = tpu.vector_load %arg12[%get3A_33, %get3A_34] {strides = array<i32>} : memref<79x128xi32, #tpu.memory_space<vmem>>, vector<16xi32>,
        tpu.vector_store_idx %arg14[%get3A_35], %broadcast_in_dim3A_1 {add = true} : memref<10240xf32, #tpu.memory_space<vmem>>[vector<16xi32>], vector<16xf32>,
        %get3A_36 = arith.index_cast %scan3A_16 : i32 to index
        %get3A_37 = arith.constant 80 : index
        %get3A_38 = tpu.vector_load %arg12[%get3A_36, %get3A_37] {strides = array<i32>} : memref<79x128xi32, #tpu.memory_space<vmem>>, vector<16xi32>,
        tpu.vector_store_idx %arg14[%get3A_38], %broadcast_in_dim3A_1 {add = true} : memref<10240xf32, #tpu.memory_space<vmem>>[vector<16xi32>], vector<16xf32>,
        %get3A_39 = arith.index_cast %scan3A_16 : i32 to index
        %get3A_40 = arith.constant 96 : index
        %get3A_41 = tpu.vector_load %arg12[%get3A_39, %get3A_40] {strides = array<i32>} : memref<79x128xi32, #tpu.memory_space<vmem>>, vector<16xi32>,
        tpu.vector_store_idx %arg14[%get3A_41], %broadcast_in_dim3A_1 {add = true} : memref<10240xf32, #tpu.memory_space<vmem>>[vector<16xi32>], vector<16xf32>,
        %get3A_42 = arith.index_cast %scan3A_16 : i32 to index
        %get3A_43 = arith.constant 112 : index
        %get3A_44 = tpu.vector_load %arg12[%get3A_42, %get3A_43] {strides = array<i32>} : memref<79x128xi32, #tpu.memory_space<vmem>>, vector<16xi32>,
        tpu.vector_store_idx %arg14[%get3A_44], %broadcast_in_dim3A_1 {add = true} : memref<10240xf32, #tpu.memory_space<vmem>>[vector<16xi32>], vector<16xf32>,
        %dma_wait3A = arith.constant 0 : i32
        %dma_wait3A_45 = tpu.memref_slice %arg11[%scan3A_16, %dma_wait3A] : memref<79x128xi32, #tpu.memory_space<vmem>> -> memref<1x128xi32, #tpu.memory_space<vmem>>
        %dma_wait3A_46 = tpu.memref_squeeze %dma_wait3A_45 : memref<1x128xi32, #tpu.memory_space<vmem>> -> memref<128xi32, #tpu.memory_space<vmem>>
        %dma_wait3A_47 = arith.constant 0 : i32
        %dma_wait3A_48 = arith.constant 0 : i32
        %dma_wait3A_49 = tpu.memref_slice %arg2[%dma_wait3A_47, %dma_wait3A_48] : memref<10000x128xf32, #tpu.memory_space<hbm>> -> memref<10000x128xf32, #tpu.memory_space<hbm>>
        tpu.wait_indirect_dma semaphore(%arg16 : memref<!tpu.dma_semaphore, #tpu.memory_space<semaphore_mem>>) src(%dma_wait3A_49 : memref<10000x128xf32, #tpu.memory_space<hbm>>) dst(%arg13 : memref<128x128xf32, #tpu.memory_space<vmem>>)
        "tpu.region"() ({
          %run_scoped3A_50 = tpu.sem_alloc : memref<!tpu.dma_semaphore, #tpu.memory_space<semaphore_mem>>
          %dma_start3A_51 = arith.constant 0 : i32
          %dma_start3A_52 = tpu.memref_slice %arg12[%scan3A_16, %dma_start3A_51] : memref<79x128xi32, #tpu.memory_space<vmem>> -> memref<1x128xi32, #tpu.memory_space<vmem>>
          %dma_start3A_53 = tpu.memref_squeeze %dma_start3A_52 : memref<1x128xi32, #tpu.memory_space<vmem>> -> memref<128xi32, #tpu.memory_space<vmem>>
          %dma_start3A_54 = arith.constant 0 : i32
          %dma_start3A_55 = arith.constant 0 : i32
          %dma_start3A_56 = tpu.memref_slice %arg15[%dma_start3A_54, %dma_start3A_55] : memref<10240x128xf32, #tpu.memory_space<vmem_shared>> -> memref<10240x128xf32, #tpu.memory_space<vmem_shared>>
          tpu.enqueue_indirect_dma source(%arg13 : memref<128x128xf32, #tpu.memory_space<vmem>>) target(%dma_start3A_56 : memref<10240x128xf32, #tpu.memory_space<vmem_shared>>) offsets(%dma_start3A_53 : memref<128xi32, #tpu.memory_space<vmem>>) semaphore(%run_scoped3A_50 : memref<!tpu.dma_semaphore, #tpu.memory_space<semaphore_mem>>) {add = true}
          %dma_wait3A_57 = arith.constant 0 : i32
          %dma_wait3A_58 = tpu.memref_slice %arg12[%scan3A_16, %dma_wait3A_57] : memref<79x128xi32, #tpu.memory_space<vmem>> -> memref<1x128xi32, #tpu.memory_space<vmem>>
          %dma_wait3A_59 = tpu.memref_squeeze %dma_wait3A_58 : memref<1x128xi32, #tpu.memory_space<vmem>> -> memref<128xi32, #tpu.memory_space<vmem>>
          %dma_wait3A_60 = arith.constant 0 : i32
          %dma_wait3A_61 = arith.constant 0 : i32
          %dma_wait3A_62 = tpu.memref_slice %arg15[%dma_wait3A_60, %dma_wait3A_61] : memref<10240x128xf32, #tpu.memory_space<vmem_shared>> -> memref<10240x128xf32, #tpu.memory_space<vmem_shared>>
          tpu.wait_indirect_dma semaphore(%run_scoped3A_50 : memref<!tpu.dma_semaphore, #tpu.memory_space<semaphore_mem>>) src(%arg13 : memref<128x128xf32, #tpu.memory_space<vmem>>) dst(%dma_wait3A_62 : memref<10240x128xf32, #tpu.memory_space<vmem_shared>>)
          tpu.yield
        }) : () -> ()
      }
      %scan3A_13 = arith.constant 79 : i32
      %barrier3A_14 = arith.constant 0 : index
      tpu.barrier barrier_id(%barrier3A_14)
      %run_scoped3A = arith.constant 1 : i32
      "tpu.region"() ({
        %run_scoped3A_16 = tpu.sem_alloc : memref<!tpu.dma_semaphore, #tpu.memory_space<semaphore_mem>>
        %dma_start3A = arith.constant 0 : i32
        %dma_start3A_17 = tpu.memref_slice %arg9[%run_scoped3A, %mul3A_0, %dma_start3A] : memref<2x10240x128xf32, #tpu.memory_space<hbm>> -> memref<1x640x128xf32, #tpu.memory_space<hbm>>
        %dma_start3A_18 = tpu.memref_squeeze %dma_start3A_17 : memref<1x640x128xf32, #tpu.memory_space<hbm>> -> memref<640x128xf32, #tpu.memory_space<hbm>>
        %dma_start3A_19 = arith.constant 0 : i32
        %dma_start3A_20 = tpu.memref_slice %arg15[%mul3A_0, %dma_start3A_19] : memref<10240x128xf32, #tpu.memory_space<vmem_shared>> -> memref<640x128xf32, #tpu.memory_space<vmem_shared>>
        tpu.enqueue_dma source(%dma_start3A_20 : memref<640x128xf32, #tpu.memory_space<vmem_shared>>) target(%dma_start3A_18 : memref<640x128xf32, #tpu.memory_space<hbm>>) target_semaphore(%run_scoped3A_16 : memref<!tpu.dma_semaphore, #tpu.memory_space<semaphore_mem>>)
        %dma_wait3A = arith.constant 0 : i32
        %dma_wait3A_21 = tpu.memref_slice %arg9[%run_scoped3A, %mul3A_0, %dma_wait3A] : memref<2x10240x128xf32, #tpu.memory_space<hbm>> -> memref<1x640x128xf32, #tpu.memory_space<hbm>>
        %dma_wait3A_22 = tpu.memref_squeeze %dma_wait3A_21 : memref<1x640x128xf32, #tpu.memory_space<hbm>> -> memref<640x128xf32, #tpu.memory_space<hbm>>
        %dma_wait3A_23 = arith.constant 0 : i32
        %dma_wait3A_24 = tpu.memref_slice %arg15[%mul3A_0, %dma_wait3A_23] : memref<10240x128xf32, #tpu.memory_space<vmem_shared>> -> memref<640x128xf32, #tpu.memory_space<vmem_shared>>
        tpu.wait_dma2 semaphore(%run_scoped3A_16 : memref<!tpu.dma_semaphore, #tpu.memory_space<semaphore_mem>>) src(%dma_wait3A_24 : memref<640x128xf32, #tpu.memory_space<vmem_shared>>) dst(%dma_wait3A_22 : memref<640x128xf32, #tpu.memory_space<hbm>>)
        tpu.yield
      }) : () -> ()
      %run_scoped3A_15 = arith.constant 1 : i32
      "tpu.region"() ({
        %run_scoped3A_16 = tpu.sem_alloc : memref<!tpu.dma_semaphore, #tpu.memory_space<semaphore_mem>>
        %dma_start3A = arith.constant 0 : i32
        %dma_start3A_17 = tpu.memref_slice %arg10[%run_scoped3A_15, %arg1, %dma_start3A] : memref<2x16x10240xf32, #tpu.memory_space<hbm>> -> memref<1x1x10240xf32, #tpu.memory_space<hbm>>
        %dma_start3A_18 = tpu.memref_squeeze %dma_start3A_17 : memref<1x1x10240xf32, #tpu.memory_space<hbm>> -> memref<10240xf32, #tpu.memory_space<hbm>>
        %dma_start3A_19 = arith.constant 0 : i32
        %dma_start3A_20 = tpu.memref_slice %arg10[%run_scoped3A_15, %arg1, %dma_start3A_19] : memref<2x16x10240xf32, #tpu.memory_space<hbm>> -> memref<1x1x10240xf32, #tpu.memory_space<hbm>>
        %dma_start3A_21 = tpu.memref_squeeze %dma_start3A_20 : memref<1x1x10240xf32, #tpu.memory_space<hbm>> -> memref<10240xf32, #tpu.memory_space<hbm>>
        tpu.enqueue_dma source(%arg14 : memref<10240xf32, #tpu.memory_space<vmem>>) target(%dma_start3A_21 : memref<10240xf32, #tpu.memory_space<hbm>>) target_semaphore(%run_scoped3A_16 : memref<!tpu.dma_semaphore, #tpu.memory_space<semaphore_mem>>)
        %dma_wait3A = arith.constant 0 : i32
        %dma_wait3A_22 = tpu.memref_slice %arg10[%run_scoped3A_15, %arg1, %dma_wait3A] : memref<2x16x10240xf32, #tpu.memory_space<hbm>> -> memref<1x1x10240xf32, #tpu.memory_space<hbm>>
        %dma_wait3A_23 = tpu.memref_squeeze %dma_wait3A_22 : memref<1x1x10240xf32, #tpu.memory_space<hbm>> -> memref<10240xf32, #tpu.memory_space<hbm>>
        %dma_wait3A_24 = arith.constant 0 : i32
        %dma_wait3A_25 = tpu.memref_slice %arg10[%run_scoped3A_15, %arg1, %dma_wait3A_24] : memref<2x16x10240xf32, #tpu.memory_space<hbm>> -> memref<1x1x10240xf32, #tpu.memory_space<hbm>>
        %dma_wait3A_26 = tpu.memref_squeeze %dma_wait3A_25 : memref<1x1x10240xf32, #tpu.memory_space<hbm>> -> memref<10240xf32, #tpu.memory_space<hbm>>
        tpu.wait_dma2 semaphore(%run_scoped3A_16 : memref<!tpu.dma_semaphore, #tpu.memory_space<semaphore_mem>>) src(%arg14 : memref<10240xf32, #tpu.memory_space<vmem>>) dst(%dma_wait3A_26 : memref<10240xf32, #tpu.memory_space<hbm>>)
        tpu.yield
      }) : () -> ()
    } else {
    }
    return
  }
}

</mosaic_0001>

<sc_bundles>
// kernel: _sc_aggregate.3.cloned.1.call-start
scs
__scs_entry_jumppad:
0x0: {  	(pc) =	sbr.rel $0x88, $3  }
0x1: {  	(tag) =	ssettag $0x0;
	lr =	simm.s32 $0x1  }
0x2: {  	[smem:$0x3F9C] =	sst lr;
	_ =	strace $0xD0000000  }
0x3: {  	_ = 	snop  }
0x4: {  	_ = 	snop  }
0x5: {  	_ = 	snop  }
0x6: {  	_ = 	snop  }
0x7: {  	_ = 	snop  }
__scs_overlays_trampoline_lowered:
0x8: {  	[smem:$0x3FAB] =	sst s0  }
0x9: {  	[smem:$0x3FAC] =	sst s1  }
0xa: {  	[smem:$0x3FAD] =	sst s2  }
0xb: {  	[smem:$0x3FAE] =	sst s3  }
0xc: {  	[smem:$0x3FAF] =	sst s4  }
0xd: {  	[smem:$0x3FB0] =	sst s5  }
0xe: {  	[smem:$0x3FB1] =	sst s6  }
0xf: {  	[smem:$0x3FB2] =	sst s7  }
0x10: {  	[smem:$0x3FB3] =	sst s8  }
0x11: {  	[smem:$0x3FB4] =	sst s9;
	s0 =	simm.s32 @!p0 $0x0  }
0x12: {  	s1 =	sld [smem:$0x3F9A];
	s0 =	simm.s32 @p0 $0x1  }
0x13: {  	[smem:$0x3FB5] =	sst s0;
	s0 =	simm.s32 @!p1 $0x0  }
0x14: {  	s2 =	sld [smem:$0x3F99];
	s0 =	simm.s32 @p1 $0x1  }
0x15: {  	[smem:$0x3FB6] =	sst s0;
	s0 =	simm.s32 @!p2 $0x0  }
0x16: {  	s3 =	sld [smem:$0x3FDB];
	s0 =	simm.s32 @p2 $0x1  }
0x17: {  	s4 =	simm.s32 $0x1BF5;
	[smem:$0x3FB8] =	sst s0  }
0x18: {  	s0 =	sld [smem:$0x3F9B];
	_ =	swait.ge [sflag:s4], $0x0  }
0x19: {  	s7 =	sld [smem:$0x3F9C]  }
0x1a: {  	s8 =	sadd.s32 $0xFFFFE003, lr  }
0x1b: {  	s9 =	sadd.s32 $0xFFFFFEF7, lr;
	s5 =	simm.s32 $0xFFFFFFFF;
	p2 =	slt.u32 s8, $0xFFFFF086  }
0x1c: {  	p1 =	slt.u32 s9, $0xF7A;
	s5 =	simm.s32 @!p2 $0x0  }
0x1d: {  	s5 =	simm.s32 @p1 $0x1;
	p0 =	seq.s32 s7, s2  }
0x1e: {  	s7 =	smul.u32 @!p0 $0xF7A, s2;
	p2 =	seq.s32 @!p0 s5, $0x0  }
0x1f: {  	s9 =	smul.u32 $0xF7A, s1;
	s8 =	simm.s32 @!p0 $0x1BF5;
	p2 =	por !p2, p0  }
0x20: {  	[sflag:s8] =	ssyncset.s32 @!p0 $0xFFFFF086;
	s6 =	sadd.s32 @!p0 s3, s7;
	s7 =	simm.s32 @!p0 $0x108  }
0x21: {  	s3 =	sadd.s32 s3, s9;
	s6 =	sadd.s32 @!p0 $0x88, s6;
	s7 =	simm.s32 @p2 $0x1082  }
0x22: {  	[simem:s7], [sflag:s8] =	dma.local @!p0 [hbm:s6], $0xF7A  }
0x23: {  	s9 =	sor.u32 $0xD0000000, s2;
	s6 =	simm.s32 $0x108;
	_ =	swait.ge @!p0 [sflag:s8], $0x0  }
0x24: {  	s3 =	sadd.s32 $0x88, s3;
	s6 =	simm.s32 @!p1 $0x1082;
	[sflag:s4] =	ssyncset.s32 $0xFFFFF086  }
0x25: {  	[simem:s6], [sflag:s4] =	dma.local [hbm:s3], $0xF7A  }
0x26: {  	[smem:$0x3F9C] =	sst s1;
	(tag) =	ssettag s2;
	_ =	strace s9  }
0x27: {  	s1 =	sld [smem:$0x3FAC]  }
0x28: {  	s2 =	sld [smem:$0x3FAD]  }
0x29: {  	s4 =	sld [smem:$0x3FAF]  }
0x2a: {  	p0 =	seq.s32 s5, $0x0;
	s5 =	sld [smem:$0x3FB0]  }
0x2b: {  	s6 =	sld [smem:$0x3FB1]  }
0x2c: {  	s7 =	sld [smem:$0x3FB2]  }
0x2d: {  	s3 =	simm.s32 $0x108;
	s8 =	sld [smem:$0x3FB3]  }
0x2e: {  	s3 =	simm.s32 @!p0 $0x1082;
	s9 =	sld [smem:$0x3FB4]  }
0x2f: {  	lr =	sadd.s32 s0, s3;
	s0 =	sld [smem:$0x3FAB]  }
0x30: {  	s3 =	sld [smem:$0x3FAE]  }
0x31: {  	[smem:$0x3FB7] =	sst s10  }
0x32: {  	s10 =	sld [smem:$0x3FB5];
	_ =	sdelay $0x3  }
0x33: {  	p0 =	seq.s32 s10, $0x1;
	s10 =	sld [smem:$0x3FB7];
	_ =	sdelay $0x3  }
0x34: {  	[smem:$0x3FB7] =	sst s10  }
0x35: {  	s10 =	sld [smem:$0x3FB6];
	_ =	sdelay $0x3  }
0x36: {  	p1 =	seq.s32 s10, $0x1;
	s10 =	sld [smem:$0x3FB7];
	_ =	sdelay $0x3  }
0x37: {  	[smem:$0x3FB7] =	sst s10  }
0x38: {  	s10 =	sld [smem:$0x3FB8]  }
0x39: {  	_ = 	snop;
	(pc) =	sbr.ind lr, $3  }
0x3a: {  	_ = 	snop  }
0x3b: {  	_ = 	snop  }
0x3c: {  	p2 =	seq.s32 s10, $0x1;
	s10 =	sld [smem:$0x3FB7]  }
0x3d: {  	_ =	shalt  }
0x3e: {  	_ =	shalt  }
0x3f: {  	_ =	shalt  }
0x40: {  	_ =	shalt  }
0x41: {  	_ =	shalt  }
0x42: {  	_ =	shalt  }
0x43: {  	_ =	shalt  }
0x44: {  	_ =	shalt  }
0x45: {  	_ =	shalt  }
0x46: {  	_ =	shalt  }
0x47: {  	_ =	shalt  }
0x48: {  	_ =	shalt  }
0x49: {  	_ =	shalt  }
0x4a: {  	_ =	shalt  }
0x4b: {  	_ =	shalt  }
0x4c: {  	_ =	shalt  }
0x4d: {  	_ =	shalt  }
0x4e: {  	_ =	shalt  }
0x4f: {  	_ =	shalt  }
0x50: {  	_ =	shalt  }
0x51: {  	_ =	shalt  }
0x52: {  	_ =	shalt  }
0x53: {  	_ =	shalt  }
0x54: {  	_ =	shalt  }
0x55: {  	_ =	shalt  }
0x56: {  	_ =	shalt  }
0x57: {  	_ =	shalt  }
0x58: {  	_ =	shalt  }
0x59: {  	_ =	shalt  }
0x5a: {  	_ =	shalt  }
0x5b: {  	_ =	shalt  }
0x5c: {  	_ =	shalt  }
0x5d: {  	_ =	shalt  }
0x5e: {  	_ =	shalt  }
0x5f: {  	_ =	shalt  }
0x60: {  	_ =	shalt  }
0x61: {  	_ =	shalt  }
0x62: {  	_ =	shalt  }
0x63: {  	_ =	shalt  }
0x64: {  	_ =	shalt  }
0x65: {  	_ =	shalt  }
0x66: {  	_ =	shalt  }
0x67: {  	_ =	shalt  }
0x68: {  	_ =	shalt  }
0x69: {  	_ =	shalt  }
0x6a: {  	_ =	shalt  }
0x6b: {  	_ =	shalt  }
0x6c: {  	_ =	shalt  }
0x6d: {  	_ =	shalt  }
0x6e: {  	_ =	shalt  }
0x6f: {  	_ =	shalt  }
0x70: {  	_ =	shalt  }
0x71: {  	_ =	shalt  }
0x72: {  	_ =	shalt  }
0x73: {  	_ =	shalt  }
0x74: {  	_ =	shalt  }
0x75: {  	_ =	shalt  }
0x76: {  	_ =	shalt  }
0x77: {  	_ =	shalt  }
0x78: {  	_ =	shalt  }
0x79: {  	_ =	shalt  }
0x7a: {  	_ =	shalt  }
0x7b: {  	_ =	shalt  }
0x7c: {  	_ =	shalt  }
0x7d: {  	_ =	shalt  }
0x7e: {  	_ =	shalt  }
0x7f: {  	_ =	shalt  }
0x80: {  	_ =	shalt  }
0x81: {  	_ =	shalt  }
0x82: {  	_ =	shalt  }
0x83: {  	_ =	shalt  }
0x84: {  	_ =	shalt  }
0x85: {  	_ =	shalt  }
0x86: {  	_ =	shalt  }
0x87: {  	_ =	shalt  }
.Lfunc_end0:
.L_simem_size_0:
called_computation_lowered:
.L_overlay_start_0:
0x88: {  	s2 =	sld [smem:$0x3FD9]  }
0x89: {  	s3 =	sld [smem:$0x3FFE];
	_ =	sdelay $0x1  }
0x8a: {  	s1 =	srdreg.scid  }
0x8b: {  	s0 =	sand.u32 $0x1, s1  }
0x8c: {  	s14 =	sshll.u32 s0, $0xA;
	s2 =	sadd.s32 s3, s2  }
0x8d: {  	s2 =	sadd.s32 s2, s14  }
0x8e: {  	[smem:$0x3FC3] =	sst s2  }
0x8f: {  	_ = 	snop  }
0x90: {  	s2 =	sld [smem:$0x3FD0];
	_ =	sdelay $0x2  }
0x91: {  	s4 =	simm.s32 $0xA;
	s5 =	simm.s32 $0x10;
	s15 =	sld [smem:$0x3FC9]  }
0x92: {  	[smem:s5], [sflag:s4] =	dma.local [hbm:s2], $0x1  }
0x93: {  	_ =	swait.eq [sflag:s4], $0x1  }
0x94: {  	[sflag:s4] =	ssyncset.done $0x0  }
0x95: {  	s16 =	sld [smem:$0x10];
	[sflag:s4] =	ssyncadd.s32 $0xFFFFFFFF  }
0x96: {  	s17 =	sld [smem:$0x11];
	(tm) =	ssettm $0x1  }
0x97: {  	s18 =	sld [smem:$0x3FFB];
	_ =	sdelay $0x3  }
0x98: {  	_ =	strace s18  }
0x99: {  	s5 =	sld [smem:$0x3FFC];
	_ =	sdelay $0x3  }
0x9a: {  	_ =	strace s5  }
0x9b: {  	s5 =	sld [smem:$0x3FFD];
	_ =	sdelay $0x3  }
0x9c: {  	_ =	strace s5  }
0x9d: {  	_ =	strace $0x8FFFFFFF  }
0x9e: {  	s19 =	sld [smem:$0x3FDB];
	_ =	sdelay $0x1  }
0x9f: {  	s6 =	simm.s32 $_scs_section_size  }
0xa0: {  	s7 =	simm.s32 $_size__tile_overlayer_lowered;
	s8 =	simm.s32 $_tile_overlayer_lowered  }
0xa1: {  	s22 =	simm.s32 $0x1BFF;
	s21 =	sshll.u32 s8, $0x1;
	s5 =	sadd.s32 s6, s19  }
0xa2: {  	s9 =	simm.s32 $0x0;
	s20 =	sshll.u32 s7, $0x1;
	s7 =	sadd.s32 s21, s5  }
0xa3: {  	[timem:s9], [sflag:s22] =	dma.local [hbm:s7], s20  }
0xa4: {  	_ =	swait.ge [sflag:s22], s20  }
0xa5: {  	s6 =	ssub.s32 $0x0, s20;
	[sflag:s22] =	ssyncset.done $0x0  }
0xa6: {  	[sflag:s22] =	ssyncadd.s32 s6;
	_ =	sdelay $0x1  }
0xa7: {  	s23 =	simm.s32 $0x1B8B  }
0xa8: {  	_ =	swait.ge [sflag:s23], $0x1  }
0xa9: {  	[sflag:s23] =	ssyncset.done $0x0  }
0xaa: {  	s25 =	simm.s32 $0x1B8E;
	s24 =	sld [smem:$0x3FFE];
	[sflag:s23] =	ssyncadd.s32 $0xFFFFFFFF  }
0xab: {  	s26 =	simm.s32 $execute0_lowered;
	[smem:$0x3FD2] =	sst s25  }
0xac: {  	s7 =	sshll.u32 s26, $0x1;
	_ =	strace $0x80000046;
	[dreg:$0x1] =	wrdreg $0xFFFFFFFF  }
0xad: {  	s28 =	simm.s32 $_size_execute0_lowered;
	s5 =	sadd.s32 s5, s7;
	[dreg:$0x0] =	wrdreg $0x0  }
0xae: {  	s7 =	sshll.u32 s28, $0x1;
	[dreg:$0x2] =	wrdreg s5  }
0xaf: {  	[dreg:$0x3] =	wrdreg s7  }
0xb0: {  	[dreg:$0x4] =	wrdreg $0xC0  }
0xb1: {  	_ =	task [dreg:s9], $0x5FFFF  }
0xb2: {  	[dreg:$0x1] =	wrdreg $0xFFFFFFFF  }
0xb3: {  	[dreg:$0x0] =	wrdreg $0x60  }
0xb4: {  	[dreg:$0x2] =	wrdreg s15  }
0xb5: {  	[dreg:$0x3] =	wrdreg s24  }
0xb6: {  	[dreg:$0x4] =	wrdreg s16  }
0xb7: {  	[dreg:$0x5] =	wrdreg s17  }
0xb8: {  	[dreg:$0x6] =	wrdreg $0xB8000  }
0xb9: {  	[dreg:$0x7] =	wrdreg $0x9  }
0xba: {  	_ =	task.clear_ibuf [dreg:s9], $0x8FFFF;
	_ =	strace $0x90000046  }
0xbb: {  	s29 =	simm.s32 $0x9;
	_ =	strace $0x80000048  }
0xbc: {  	_ =	swait.ge [sflag:s29], $0x1  }
0xbd: {  	[sflag:s29] =	ssyncadd.s32 $0xFFFFFFFF  }
0xbe: {  	_ =	strace $0x90000048  }
0xbf: {  	_ =	sfence  }
0xc0: {  	s30 =	sld [smem:$0x0];
	_ =	sdelay $0x2  }
0xc1: {  	s31 =	sshll.u32 s1, $0xD;
	s1 =	sshrl.u32 s1, $0x2  }
0xc2: {  	s3 =	sand.u32 $0x4000, s31;
	s1 =	sadd.s32 s1, s30  }
0xc3: {  	s0 =	sor.u32 s3, s0;
	s1 =	sshll.u32 s1, $0x11  }
0xc4: {  	s0 =	sor.u32 s1, s0  }
0xc5: {  	s0 =	sadd.s32 $0x8F2B, s0  }
0xc6: {  	[sflag:s0] =	ssyncadd.remote.s32 $0x1  }
0xc7: {  	_ =	sfence.sel $0xFFFF  }
0xc8: {  	[dreg:$0x0] =	wrdreg $0xFFFFFFFF;
	(pc) =	sbr.abs _section_cstart, $3  }
0xc9: {  	[dreg:$0x1] =	wrdreg $0xFFFFFFFF  }
0xca: {  	_ =	task.clear_ibuf [dreg:s9], $0x2FFFF;
	_ =	strace $0x9FFFFFFF  }
0xcb: {  	(tm) =	ssettm $0x7FFFFFFF  }
tec
execute0_lowered:
.L_overlay_start_1:
0x0: {  	(tag) =	ssettag $0x1  }
0x1: {  	s1 =	rddreg [dreg:$0x0]  }
0x2: {  	s8 =	rddreg [dreg:$0x1]  }
0x3: {  	s2 =	rddreg [dreg:$0x2]  }
0x4: {  	s4 =	rddreg [dreg:$0x3]  }
0x5: {  	s5 =	rddreg [dreg:$0x4]  }
0x6: {  	s0 =	rddreg [dreg:$0x5];
	s6 =	simm.s32 $0x0  }
0x7: {  	s3 =	stileid.u32;
	s9 =	srdreg.scid;
	s21 =	simm.s32 $0x2  }
0x8: {  	s22 =	simm.s32 $0x9000;
	s23 =	simm.s32 $0x2800;
	s24 =	simm.s32 $0x80  }
0x9: {  	s25 =	simm.s32 $0x5000;
	s26 =	simm.s32 $0x1;
	s28 =	simm.s32 $0x400  }
0xa: {  	s29 =	simm.s32 $0x0;
	[smem:$0x7FF] =	sst s6;
	s7 =	smul.u32 $0x500, s3  }
0xb: {  	s10 =	sand.u32 $0x1, s9;
	s30 =	smul.u32 $0x50000, s3;
	s13 =	sshll.u32 s3, $0x6  }
0xc: {  	s31 =	sshrl.u32 s3, $0x3;
	s14 =	sshll.u32 s3, $0x7;
	s17 =	smul.u32 $0x14000, s3  }
0xd: {  	_ =	strace $0x80000047;
	s11 =	ssub.s32 $0x2, s10;
	p0 =	seq.s32 s10, $0x1  }
0xe: {  	s14 =	sand.u32 $0x380, s14;
	s16 =	sadd.s32 s7, s8;
	s7 =	sadd.s32 $0x14C00, s8  }
0xf: {  	s8 =	sadd.s32 $0x14600, s8;
	s12 =	sshrl.u32 s11, $0x1;
	s9 =	sshrl.u32 s30, $0x2  }
.Ltmp0:
0x10: {  	s17 =	sshrl.u32 s17, $0x3;
	s19 =	ssub.s32 s11, s12;
	(pc) =	sbr.rel .LBB2_1-.Ltmp0, $4  }
0x11: {  	s20 =	sadd.s32 s9, s5;
	s9 =	sor.u32 $0x1C02, s13;
	s11 =	smul.u32 $0x2800, s3  }
0x12: {  	s10 =	sadd.s32 $0x600, s16;
	s12 =	sadd.s32 $0x5600, s16;
	s13 =	smul.u32 $0x14000, s31  }
0x13: {  	s15 =	sadd.s32 $0xA600, s16;
	s16 =	sadd.s32 $0xF600, s16;
	s17 =	sadd.s32 $0x28000, s17  }
0x14: {  	v0 =	vimm.f32 $1.000000000e+00;
	s19 =	smax.u32 s19, $0x1;
	s20 =	sshrl.u32 s20, $0x3;
	s18 =	sadd.s32 $0x28000, s13  }
.LBB2_4:
0x15: {  	s31 =	smov.u32 s11;
	s30 =	smov.u32 s13  }
.LBB2_8:
0x16: {  	s31 =	sadd.s32 s2, s31;
	[bflag:$0x0] =	sbarrier.arrive $0xFFFF  }
0x17: {  	[hbm:s31], [sflag:s9] =	dma.local [spmem:s20], $0x2800  }
0x18: {  	s30 =	sor.u32 s14, s30;
	s29 =	sadd.s32 $0x1, s29;
	_ =	swait.ge [sflag:s21], $0x2800  }
0x19: {  	s30 =	sshrl.u32 s30, $0x3;
	p1 =	sne.s32 s29, s19;
	[sflag:s21] =	ssyncset.done $0x0  }
.Ltmp1:
0x1a: {  	s30 =	sadd.s32 s4, s30;
	[sflag:s21] =	ssyncadd.s32 $0xFFFFD800;
	(pc) =	sbr.rel @!p1 .LBB2_9-.Ltmp1, $4  }
0x1b: {  	[hbm4b:s30+s24] =	stream.strided.scatter [tilespmem:s22], [sflag:$0x2], $0x2800, s28, s24, $0x38;
	[tilespmem:$0x1F800] =	vst v63  }
0x1c: {  	_ =	swait.ge [sflag:s21], $0x2800  }
0x1d: {  	[sflag:s21] =	ssyncset.done $0x0  }
0x1e: {  	[sflag:s21] =	ssyncadd.s32 $0xFFFFD800  }
.LBB2_1:
0x1f: {  	[spmem:s20], [sflag:s9] =	dma.local [hbm:s7], $0x2800  }
0x20: {  	_ =	swait.ge [sflag:s21], $0x2800  }
0x21: {  	[sflag:s21] =	ssyncset.done $0x0  }
0x22: {  	[sflag:s21] =	ssyncadd.s32 $0xFFFFD800  }
0x23: {  	[tilespmem:s22], [sflag:$0x2] =	stream.linear.gather [hbm4b:s8+s6], $0x2800, $0x38;
	[tilespmem:$0x1F800] =	vst v63  }
.Ltmp2:
0x24: {  	_ =	swait.ge [sflag:s21], $0x2800;
	(pc) =	sbr.rel @!p0 .LBB2_2-.Ltmp2, $4  }
0x25: {  	[sflag:s21] =	ssyncset.done $0x0  }
0x26: {  	[sflag:s21] =	ssyncadd.s32 $0xFFFFD800  }
0x27: {  	[bflag:$0x0] =	sbarrier.arrive $0xFFFF  }
0x28: {  	s30 =	simm.s32 $0x0  }
0x29: {  	[tilespmem:s30], [sflag:$0x2] =	stream.linear.gather [hbm4b:s15+s30], $0x2780, $0x38;
	[tilespmem:$0x1F800] =	vst v63  }
0x2a: {  	_ =	swait.ge [sflag:s21], $0x2780  }
0x2b: {  	[sflag:s21] =	ssyncset.done $0x0  }
0x2c: {  	[sflag:s21] =	ssyncadd.s32 $0xFFFFD880  }
0x2d: {  	[tilespmem:s23], [sflag:$0x2] =	stream.linear.gather [hbm4b:s16+s30], $0x2780, $0x38;
	[tilespmem:$0x1F800] =	vst v63  }
0x2e: {  	_ =	swait.ge [sflag:s21], $0x2780  }
0x2f: {  	[sflag:s21] =	ssyncset.done $0x0  }
0x30: {  	[sflag:s21] =	ssyncadd.s32 $0xFFFFD880  }
.LBB2_6:
0x31: {  	s31 =	sshra.s32 s30, $0x2  }
0x32: {  	[tilespmem:s25], [sflag:$0x1] =	stream.indirect.gather [hbm4b:s1+s24], $0x80, s31, s24, $0xb8;
	[tilespmem:$0x1F800] =	vst v63  }
0x33: {  	v1 =	vld [tilespmem:s31+$0x2800];
	_ =	sdelay $0x7  }
0x34: {  	[tilespmem:v1+s22+$0x0] =	vst.idx.add.f32.msk $0xffff, v0  }
0x35: {  	v1 =	vld [tilespmem:s31+$0x2810];
	_ =	sdelay $0x7  }
0x36: {  	[tilespmem:v1+s22+$0x0] =	vst.idx.add.f32.msk $0xffff, v0  }
0x37: {  	v1 =	vld [tilespmem:s31+$0x2820];
	_ =	sdelay $0x7  }
0x38: {  	[tilespmem:v1+s22+$0x0] =	vst.idx.add.f32.msk $0xffff, v0  }
0x39: {  	v1 =	vld [tilespmem:s31+$0x2830];
	_ =	sdelay $0x7  }
0x3a: {  	[tilespmem:v1+s22+$0x0] =	vst.idx.add.f32.msk $0xffff, v0  }
0x3b: {  	v1 =	vld [tilespmem:s31+$0x2840];
	_ =	sdelay $0x7  }
0x3c: {  	[tilespmem:v1+s22+$0x0] =	vst.idx.add.f32.msk $0xffff, v0  }
0x3d: {  	v1 =	vld [tilespmem:s31+$0x2850];
	_ =	sdelay $0x7  }
0x3e: {  	[tilespmem:v1+s22+$0x0] =	vst.idx.add.f32.msk $0xffff, v0  }
0x3f: {  	v1 =	vld [tilespmem:s31+$0x2860];
	_ =	sdelay $0x7  }
0x40: {  	[tilespmem:v1+s22+$0x0] =	vst.idx.add.f32.msk $0xffff, v0  }
0x41: {  	v1 =	vld [tilespmem:s31+$0x2870];
	_ =	sdelay $0x7  }
0x42: {  	[tilespmem:v1+s22+$0x0] =	vst.idx.add.f32.msk $0xffff, v0  }
0x43: {  	_ =	swait.ge [sflag:s26], $0x4000  }
0x44: {  	p1 =	sne.s32 s30, $0x9C00;
	[sflag:s26] =	ssyncset.done $0x0  }
.Ltmp3:
0x45: {  	s31 =	sadd.s32 $0x2800, s31;
	[sflag:s26] =	ssyncadd.s32 $0xFFFFC000;
	(pc) =	sbr.rel @p1 .LBB2_6-.Ltmp3, $4  }
0x46: {  	[spmem:s5] =	stream.indirect.scatter.add.f32 [tilespmem:s25], [sflag:$0x2], $0x80, s31, s24, $0xb8;
	[tilespmem:$0x1F800] =	vst v63  }
0x47: {  	_ =	swait.ge [sflag:s21], $0x4000  }
0x48: {  	[sflag:s21] =	ssyncset.done $0x0  }
0x49: {  	s30 =	sadd.s32 $0x200, s30;
	[sflag:s21] =	ssyncadd.s32 $0xFFFFC000  }
.Ltmp4:
0x4a: {  	(pc) =	sbr.rel .LBB2_8-.Ltmp4, $2  }
0x4b: {  	_ =	sdelay $0x2  }
0x4c: {  	s31 =	smov.u32 s17;
	s30 =	smov.u32 s18  }
.LBB2_2:
0x4d: {  	[tilespmem:s30], [sflag:$0x2] =	stream.linear.gather [hbm4b:s10+s30], $0x2780, $0x38;
	[tilespmem:$0x1F800] =	vst v63  }
0x4e: {  	_ =	swait.ge [sflag:s21], $0x2780  }
0x4f: {  	[sflag:s21] =	ssyncset.done $0x0  }
0x50: {  	[sflag:s21] =	ssyncadd.s32 $0xFFFFD880  }
0x51: {  	[tilespmem:s23], [sflag:$0x2] =	stream.linear.gather [hbm4b:s12+s30], $0x2780, $0x38;
	[tilespmem:$0x1F800] =	vst v63  }
0x52: {  	_ =	swait.ge [sflag:s21], $0x2780  }
0x53: {  	[sflag:s21] =	ssyncset.done $0x0  }
0x54: {  	[sflag:s21] =	ssyncadd.s32 $0xFFFFD880  }
.LBB2_3:
0x55: {  	s31 =	sshra.s32 s30, $0x2  }
0x56: {  	[tilespmem:s25], [sflag:$0x1] =	stream.indirect.gather [hbm4b:s1+s24], $0x80, s31, s24, $0xb8;
	[tilespmem:$0x1F800] =	vst v63  }
0x57: {  	v1 =	vld [tilespmem:s31+$0x2800];
	_ =	sdelay $0x7  }
0x58: {  	[tilespmem:v1+s22+$0x0] =	vst.idx.add.f32.msk $0xffff, v0  }
0x59: {  	v1 =	vld [tilespmem:s31+$0x2810];
	_ =	sdelay $0x7  }
0x5a: {  	[tilespmem:v1+s22+$0x0] =	vst.idx.add.f32.msk $0xffff, v0  }
0x5b: {  	v1 =	vld [tilespmem:s31+$0x2820];
	_ =	sdelay $0x7  }
0x5c: {  	[tilespmem:v1+s22+$0x0] =	vst.idx.add.f32.msk $0xffff, v0  }
0x5d: {  	v1 =	vld [tilespmem:s31+$0x2830];
	_ =	sdelay $0x7  }
0x5e: {  	[tilespmem:v1+s22+$0x0] =	vst.idx.add.f32.msk $0xffff, v0  }
0x5f: {  	v1 =	vld [tilespmem:s31+$0x2840];
	_ =	sdelay $0x7  }
0x60: {  	[tilespmem:v1+s22+$0x0] =	vst.idx.add.f32.msk $0xffff, v0  }
0x61: {  	v1 =	vld [tilespmem:s31+$0x2850];
	_ =	sdelay $0x7  }
0x62: {  	[tilespmem:v1+s22+$0x0] =	vst.idx.add.f32.msk $0xffff, v0  }
0x63: {  	v1 =	vld [tilespmem:s31+$0x2860];
	_ =	sdelay $0x7  }
0x64: {  	[tilespmem:v1+s22+$0x0] =	vst.idx.add.f32.msk $0xffff, v0  }
0x65: {  	v1 =	vld [tilespmem:s31+$0x2870];
	_ =	sdelay $0x7  }
0x66: {  	[tilespmem:v1+s22+$0x0] =	vst.idx.add.f32.msk $0xffff, v0  }
0x67: {  	_ =	swait.ge [sflag:s26], $0x4000  }
0x68: {  	p1 =	seq.s32 s30, $0x9C00;
	[sflag:s26] =	ssyncset.done $0x0  }
.Ltmp5:
0x69: {  	s31 =	sadd.s32 $0x2800, s31;
	[sflag:s26] =	ssyncadd.s32 $0xFFFFC000;
	(pc) =	sbr.rel @!p1 .LBB2_3-.Ltmp5, $4  }
0x6a: {  	[spmem:s5] =	stream.indirect.scatter.add.f32 [tilespmem:s25], [sflag:$0x2], $0x80, s31, s24, $0xb8;
	[tilespmem:$0x1F800] =	vst v63  }
0x6b: {  	_ =	swait.ge [sflag:s21], $0x4000  }
0x6c: {  	[sflag:s21] =	ssyncset.done $0x0  }
0x6d: {  	s30 =	sadd.s32 $0x200, s30;
	[sflag:s21] =	ssyncadd.s32 $0xFFFFC000  }
.Ltmp6:
0x6e: {  	_ = 	snop;
	(pc) =	sbr.rel .LBB2_4-.Ltmp6, $1  }
0x6f: {  	_ =	sdelay $0x3  }
.LBB2_9:
0x70: {  	_ =	sfence.sel $0x180000  }
0x71: {  	[bflag:$0x0] =	sbarrier.arrive $0xFFFF  }
0x72: {  	p0 =	sne.s32 s3, $0x0;
	_ =	strace $0x90000047  }
0x73: {  	s0 =	sadd.s32 @!p0 $0x100000, s0;
	[bflag:$0x2] =	sbarrier.arrive $0xFFFF  }
0x74: {  	[sflag:s0] =	ssyncadd.tile.s32 @!p0 $0x1;
	_ =	shalt  }
.Lfunc_end2:
_tile_overlayer_lowered:
.L_overlay_start_2:
0x75: {  	(tag) =	ssettag $0x2  }
0x76: {  	s0 =	rddreg [dreg:$0x0];
	s2 =	stileid.u32  }
0x77: {  	s1 =	rddreg [dreg:$0x1];
	p0 =	sne.s32 s2, $0x0  }
0x78: {  	s3 =	rddreg [dreg:$0x2];
	[bflag:$0x3] =	sbarrier.arrive $0xFFFF;
	s2 =	simm.s32 @!p0 $0x1C02  }
0x79: {  	[timem:s3], [sflag:s2] =	dma.local @!p0 [hbm:s0], s1  }
0x7a: {  	s0 =	simm.s32 @!p0 $0x2  }
0x7b: {  	_ =	swait.ge @!p0 [sflag:s0], s1  }
0x7c: {  	s1 =	ssub.s32 @!p0 $0x0, s1;
	[sflag:s0] =	ssyncset.done @!p0 $0x0  }
0x7d: {  	[sflag:s0] =	ssyncadd.s32 @!p0 s1  }
0x7e: {  	[bflag:$0x3] =	sbarrier.arrive $0xFFFF  }
0x7f: {  	_ =	shalt  }

</sc_bundles>
